<compile_context>
chip_gen: v7x
topology: tpu7x:2x2x1
jax: 0.10.2.dev20260603
libtpu: 0.0.44.dev20260713+nightly
codegen_flags: <defaults>
</compile_context>

<pallas_src>
import functools

import jax
import jax.numpy as jnp
from jax import lax
from jax.experimental import pallas as pl
from jax.experimental.pallas import tpu as pltpu
from jax.experimental.pallas import tpu_sc as plsc

_NC = 2
_NS = 16
_NW = _NC * _NS
_WIN = 128


def _make_sc_gather(tok, d_e):
    per_w = tok // _NW
    n_win = per_w // _WIN
    mesh = plsc.VectorSubcoreMesh(core_axis_name="c", subcore_axis_name="s")

    @functools.partial(
        pl.kernel,
        mesh=mesh,
        compiler_params=pltpu.CompilerParams(use_tc_tiling_on_sc=False),
        out_type=jax.ShapeDtypeStruct((tok, d_e), jnp.float32),
        scratch_types=[
            pltpu.VMEM((per_w,), jnp.int32),
            pltpu.VMEM((_WIN, d_e), jnp.float32),
            pltpu.VMEM((_WIN, d_e), jnp.float32),
            pltpu.SemaphoreType.DMA,
            pltpu.SemaphoreType.DMA,
        ],
        cost_estimate=pl.CostEstimate(
            flops=0,
            transcendentals=0,
            bytes_accessed=2 * tok * d_e * 4 + tok * 4,
        ),
    )
    def gather_k(ids_hbm, table_hbm, out_hbm, idx_v, buf0, buf1, sem0, sem1):
        wid = lax.axis_index("s") * _NC + lax.axis_index("c")
        base = wid * per_w
        pltpu.sync_copy(ids_hbm.at[pl.ds(base, per_w)], idx_v)

        def gather_win(w, buf, sem):
            pltpu.async_copy(
                table_hbm.at[idx_v.at[pl.ds(w * _WIN, _WIN)]], buf, sem
            )

        def drain(buf, sem):
            pltpu.make_async_copy(
                table_hbm.at[idx_v.at[pl.ds(0, _WIN)]], buf, sem
            ).wait()

        gather_win(0, buf0, sem0)

        def body(i, carry):
            w0 = 2 * i
            gather_win(w0 + 1, buf1, sem1)
            drain(buf0, sem0)
            pltpu.sync_copy(buf0, out_hbm.at[pl.ds(base + w0 * _WIN, _WIN)])

            @pl.when(i < n_win // 2 - 1)
            def _():
                gather_win(w0 + 2, buf0, sem0)

            drain(buf1, sem1)
            pltpu.sync_copy(
                buf1, out_hbm.at[pl.ds(base + (w0 + 1) * _WIN, _WIN)]
            )
            return carry

        lax.fori_loop(0, n_win // 2, body, 0)

    return gather_k


def _tc_fused(x3, pos_col, w2, b2, bt, half, ub):
    rows = half * 128

    def body(x_ref, pos_ref, w_ref, b_ref, et_ref, ht_ref):
        for u in range(ub):
            slab_t = jnp.transpose(x_ref[u])
            et = slab_t + pos_ref[u * 128:(u + 1) * 128, :]
            et_ref[u * 128:(u + 1) * 128, :] = et
            z = jnp.dot(w_ref[...], et, preferred_element_type=jnp.float32)
            ht = jax.nn.sigmoid(z + b_ref[...])
            y = jnp.swapaxes(
                ht.reshape(32, 4, bt // 128, 128), 1, 2
            ).reshape(bt, 128)
            ht_ref[u * bt:(u + 1) * bt, :] = y

    grid = (half // ub,)
    return pl.pallas_call(
        body,
        grid=grid,
        in_specs=[
            pl.BlockSpec((ub, bt, 128), lambda i: (i, 0, 0)),
            pl.BlockSpec((ub * 128, 1), lambda i: (i, 0)),
            pl.BlockSpec((128, 128), lambda i: (0, 0)),
            pl.BlockSpec((128, 1), lambda i: (0, 0)),
        ],
        out_specs=[
            pl.BlockSpec((ub * 128, bt), lambda i: (i, 0)),
            pl.BlockSpec((ub * bt, 128), lambda i: (i, 0)),
        ],
        out_shape=[
            jax.ShapeDtypeStruct((rows, bt), jnp.float32),
            jax.ShapeDtypeStruct((half * bt, 128), jnp.float32),
        ],
    )(x3, pos_col, w2, b2)


def kernel(token_ids, token_embed, pos_embed, W_h, b_h):
    bt, st = token_ids.shape
    vocab, d_e = token_embed.shape
    nb = W_h.shape[1] // 4
    tok = bt * st
    half = st // 2

    ids_perm = jnp.transpose(
        token_ids.astype(jnp.int32).reshape(bt, half, 2), (1, 0, 2)
    ).reshape(tok)

    tbl_pairs = jax.lax.optimization_barrier(
        token_embed.reshape(vocab // 2, 2 * d_e)
    )
    tbl_lin = tbl_pairs.reshape(vocab, d_e)

    e_raw = _make_sc_gather(tok, d_e)(ids_perm, tbl_lin)
    x3 = e_raw.reshape(half, bt, 2 * d_e)

    pos_col = pos_embed[:st].reshape(st * d_e, 1)
    w_t = W_h.T
    w2 = (
        jnp.zeros((2 * d_e, 2 * d_e), jnp.float32)
        .at[:d_e, :d_e].set(w_t)
        .at[d_e:, d_e:].set(w_t)
    )
    b2 = jnp.concatenate([b_h, b_h]).reshape(2 * d_e, 1)

    e_t, h_y = _tc_fused(x3, pos_col, w2, b2, bt, half, ub=10)

    e = jnp.transpose(e_t.reshape(st, d_e, bt), (2, 0, 1))
    h_t = jnp.swapaxes(
        h_y.reshape(st * d_e // 4, bt // 128, 4, 128), 1, 2
    ).reshape(st * d_e, bt)
    h = jnp.transpose(h_t.reshape(st, nb, 4, bt), (3, 0, 1, 2))
    wm = jnp.zeros((bt, st, nb, nb), jnp.float32)
    return (e, h, wm)

# --- scband reference (transcript-rebuilt; emitter-appended) ---
"""Pipeline reference for scband-cell-embedding-72782515798413 (READ-ONLY COPY).

The authoritative reference and input builder live on the scoring server;
editing this copy changes nothing except your own understanding.
"""

import jax, jax.numpy as jnp
import numpy as np

VOCAB = 100000
D_E = 64
NB = 16
MAX_S = 512
B = 1024
S = 200


def setup_inputs(seed: int = 0) -> dict:
    key = jax.random.key(seed)
    k1, k2, k3, k4 = jax.random.split(key, 4)
    token_ids = jax.random.randint(k1, (B, S), 0, VOCAB, dtype=jnp.int64) if jax.config.jax_enable_x64 else jax.random.randint(k1, (B, S), 0, VOCAB, dtype=jnp.int32)
    token_embed = jax.random.normal(k2, (VOCAB, D_E), dtype=jnp.float32)
    pos_embed = jax.random.normal(k3, (MAX_S, D_E), dtype=jnp.float32)
    W_h = jax.random.normal(k4, (D_E, NB * 4), dtype=jnp.float32) * (1.0 / np.sqrt(D_E))
    b_h = jnp.zeros((NB * 4,), dtype=jnp.float32)
    return {"token_ids": token_ids, "token_embed": token_embed, "pos_embed": pos_embed, "W_h": W_h, "b_h": b_h}


def reference(token_ids, token_embed, pos_embed, W_h, b_h):
    Bt, St = token_ids.shape
    nb = NB
    positions = jnp.arange(St)
    # embedding gathers (SparseCore-friendly)
    e = jnp.take(token_embed, token_ids, axis=0) + jnp.take(pos_embed, positions, axis=0)[None, :, :]
    # h projection + sigmoid
    h_flat = jax.nn.sigmoid(e @ W_h + b_h)
    h = h_flat.reshape(Bt, St, nb, 4)
    # mucus connection matrix: eye*0.1 expanded then diagonal masked out (faithful to torch code)
    eye = jnp.eye(nb, dtype=jnp.float32)
    Wm = (eye * 0.1)[None, None, :, :] * jnp.ones((Bt, St, 1, 1), dtype=jnp.float32)
    mask = 1.0 - eye
    Wm = Wm * mask
    return (e, h, Wm)

if __name__ == "__main__":
    import jax
    _d = setup_inputs()
    print(jax.jit(kernel)(*tuple(_d.values())))

</pallas_src>

<mosaic_0001>
#map = affine_map<(d0, d1) -> (0)>
#map1 = affine_map<(d0, d1) -> (0, 0)>
module attributes {stable_mosaic.version = 14 : i64} {
  func.func @gather_k(%arg0: i32, %arg1: i32, %arg2: memref<204800xi32, #tpu.memory_space<hbm>>, %arg3: memref<100000x64xf32, #tpu.memory_space<hbm>>, %arg4: memref<204800x64xf32, #tpu.memory_space<hbm>>, %arg5: memref<6400xi32, #tpu.memory_space<vmem>>, %arg6: memref<128x64xf32, #tpu.memory_space<vmem>>, %arg7: memref<128x64xf32, #tpu.memory_space<vmem>>, %arg8: memref<!tpu.dma_semaphore, #tpu.memory_space<semaphore_mem>>, %arg9: memref<!tpu.dma_semaphore, #tpu.memory_space<semaphore_mem>>) attributes {dimension_semantics = [#tpu.dimension_semantics<core_parallel>, #tpu.dimension_semantics<subcore_parallel>], iteration_bounds = array<i64: 2, 16>, scalar_prefetch = 0 : i64, scratch_operands = 5 : i64, tpu.core_type = #tpu.core_type<sc_vector_subcore>, window_params = [{transform_indices = #map}, {transform_indices = #map1}, {transform_indices = #map1}]} {
    %mul3A = arith.constant 2 : i32
    %mul3A_0 = arith.muli %arg1, %mul3A : i32
    %add3A = arith.addi %mul3A_0, %arg0 : i32
    %mul3A_1 = arith.constant 6400 : i32
    %mul3A_2 = arith.muli %add3A, %mul3A_1 : i32
    "tpu.region"() ({
      %run_scoped3A = tpu.sem_alloc : memref<!tpu.dma_semaphore, #tpu.memory_space<semaphore_mem>>
      %dma_start3A_12 = tpu.memref_slice %arg2[%mul3A_2] : memref<204800xi32, #tpu.memory_space<hbm>> -> memref<6400xi32, #tpu.memory_space<hbm>>
      %dma_start3A_13 = tpu.memref_slice %arg2[%mul3A_2] : memref<204800xi32, #tpu.memory_space<hbm>> -> memref<6400xi32, #tpu.memory_space<hbm>>
      tpu.enqueue_dma source(%dma_start3A_13 : memref<6400xi32, #tpu.memory_space<hbm>>) target(%arg5 : memref<6400xi32, #tpu.memory_space<vmem>>) target_semaphore(%run_scoped3A : memref<!tpu.dma_semaphore, #tpu.memory_space<semaphore_mem>>)
      %dma_wait3A = tpu.memref_slice %arg2[%mul3A_2] : memref<204800xi32, #tpu.memory_space<hbm>> -> memref<6400xi32, #tpu.memory_space<hbm>>
      %dma_wait3A_14 = tpu.memref_slice %arg2[%mul3A_2] : memref<204800xi32, #tpu.memory_space<hbm>> -> memref<6400xi32, #tpu.memory_space<hbm>>
      tpu.wait_dma2 semaphore(%run_scoped3A : memref<!tpu.dma_semaphore, #tpu.memory_space<semaphore_mem>>) src(%dma_wait3A_14 : memref<6400xi32, #tpu.memory_space<hbm>>) dst(%arg5 : memref<6400xi32, #tpu.memory_space<vmem>>)
      tpu.yield
    }) : () -> ()
    %dma_start3A = arith.constant 0 : i32
    %dma_start3A_3 = tpu.memref_slice %arg5[%dma_start3A] : memref<6400xi32, #tpu.memory_space<vmem>> -> memref<128xi32, #tpu.memory_space<vmem>>
    %dma_start3A_4 = arith.constant 0 : i32
    %dma_start3A_5 = arith.constant 0 : i32
    %dma_start3A_6 = tpu.memref_slice %arg3[%dma_start3A_4, %dma_start3A_5] : memref<100000x64xf32, #tpu.memory_space<hbm>> -> memref<100000x64xf32, #tpu.memory_space<hbm>>
    tpu.enqueue_indirect_dma source(%dma_start3A_6 : memref<100000x64xf32, #tpu.memory_space<hbm>>) target(%arg6 : memref<128x64xf32, #tpu.memory_space<vmem>>) offsets(%dma_start3A_3 : memref<128xi32, #tpu.memory_space<vmem>>) semaphore(%arg8 : memref<!tpu.dma_semaphore, #tpu.memory_space<semaphore_mem>>)
    %scan3A = arith.constant 0 : i32
    %scan3A_7 = arith.constant 0 : i32
    %scan3A_8 = arith.constant 25 : i32
    %scan3A_9 = arith.addi %scan3A_7, %scan3A_8 : i32
    %scan3A_10 = arith.constant 1 : i32
    scf.for %scan3A_12 = %scan3A_7 to %scan3A_9 step %scan3A_10  : i32 {
      %mul3A_13 = arith.constant 2 : i32
      %mul3A_14 = arith.muli %mul3A_13, %scan3A_12 : i32
      %add3A_15 = arith.constant 1 : i32
      %add3A_16 = arith.addi %mul3A_14, %add3A_15 : i32
      %mul3A_17 = arith.constant 128 : i32
      %mul3A_18 = arith.muli %add3A_16, %mul3A_17 : i32
      %dma_start3A_19 = tpu.memref_slice %arg5[%mul3A_18] : memref<6400xi32, #tpu.memory_space<vmem>> -> memref<128xi32, #tpu.memory_space<vmem>>
      %dma_start3A_20 = arith.constant 0 : i32
      %dma_start3A_21 = arith.constant 0 : i32
      %dma_start3A_22 = tpu.memref_slice %arg3[%dma_start3A_20, %dma_start3A_21] : memref<100000x64xf32, #tpu.memory_space<hbm>> -> memref<100000x64xf32, #tpu.memory_space<hbm>>
      tpu.enqueue_indirect_dma source(%dma_start3A_22 : memref<100000x64xf32, #tpu.memory_space<hbm>>) target(%arg7 : memref<128x64xf32, #tpu.memory_space<vmem>>) offsets(%dma_start3A_19 : memref<128xi32, #tpu.memory_space<vmem>>) semaphore(%arg9 : memref<!tpu.dma_semaphore, #tpu.memory_space<semaphore_mem>>)
      %dma_wait3A = arith.constant 0 : i32
      %dma_wait3A_23 = tpu.memref_slice %arg5[%dma_wait3A] : memref<6400xi32, #tpu.memory_space<vmem>> -> memref<128xi32, #tpu.memory_space<vmem>>
      %dma_wait3A_24 = arith.constant 0 : i32
      %dma_wait3A_25 = arith.constant 0 : i32
      %dma_wait3A_26 = tpu.memref_slice %arg3[%dma_wait3A_24, %dma_wait3A_25] : memref<100000x64xf32, #tpu.memory_space<hbm>> -> memref<100000x64xf32, #tpu.memory_space<hbm>>
      tpu.wait_indirect_dma semaphore(%arg8 : memref<!tpu.dma_semaphore, #tpu.memory_space<semaphore_mem>>) src(%dma_wait3A_26 : memref<100000x64xf32, #tpu.memory_space<hbm>>) dst(%arg6 : memref<128x64xf32, #tpu.memory_space<vmem>>)
      %mul3A_27 = arith.constant 128 : i32
      %mul3A_28 = arith.muli %mul3A_14, %mul3A_27 : i32
      %add3A_29 = arith.addi %mul3A_2, %mul3A_28 : i32
      "tpu.region"() ({
        %run_scoped3A = tpu.sem_alloc : memref<!tpu.dma_semaphore, #tpu.memory_space<semaphore_mem>>
        %dma_start3A_42 = arith.constant 0 : i32
        %dma_start3A_43 = tpu.memref_slice %arg4[%add3A_29, %dma_start3A_42] : memref<204800x64xf32, #tpu.memory_space<hbm>> -> memref<128x64xf32, #tpu.memory_space<hbm>>
        %dma_start3A_44 = arith.constant 0 : i32
        %dma_start3A_45 = tpu.memref_slice %arg4[%add3A_29, %dma_start3A_44] : memref<204800x64xf32, #tpu.memory_space<hbm>> -> memref<128x64xf32, #tpu.memory_space<hbm>>
        tpu.enqueue_dma source(%arg6 : memref<128x64xf32, #tpu.memory_space<vmem>>) target(%dma_start3A_45 : memref<128x64xf32, #tpu.memory_space<hbm>>) target_semaphore(%run_scoped3A : memref<!tpu.dma_semaphore, #tpu.memory_space<semaphore_mem>>)
        %dma_wait3A_46 = arith.constant 0 : i32
        %dma_wait3A_47 = tpu.memref_slice %arg4[%add3A_29, %dma_wait3A_46] : memref<204800x64xf32, #tpu.memory_space<hbm>> -> memref<128x64xf32, #tpu.memory_space<hbm>>
        %dma_wait3A_48 = arith.constant 0 : i32
        %dma_wait3A_49 = tpu.memref_slice %arg4[%add3A_29, %dma_wait3A_48] : memref<204800x64xf32, #tpu.memory_space<hbm>> -> memref<128x64xf32, #tpu.memory_space<hbm>>
        tpu.wait_dma2 semaphore(%run_scoped3A : memref<!tpu.dma_semaphore, #tpu.memory_space<semaphore_mem>>) src(%arg6 : memref<128x64xf32, #tpu.memory_space<vmem>>) dst(%dma_wait3A_49 : memref<128x64xf32, #tpu.memory_space<hbm>>)
        tpu.yield
      }) : () -> ()
      %lt3A = arith.constant 24 : i32
      %lt3A_30 = arith.cmpi slt, %scan3A_12, %lt3A : i32
      %convert_element_type3A = arith.extui %lt3A_30 : i1 to i32
      %cond3A = arith.constant 0 : i32
      %cond3A_31 = arith.cmpi ne, %convert_element_type3A, %cond3A : i32
      scf.if %cond3A_31 {
        %add3A_42 = arith.constant 2 : i32
        %add3A_43 = arith.addi %mul3A_14, %add3A_42 : i32
        %mul3A_44 = arith.constant 128 : i32
        %mul3A_45 = arith.muli %add3A_43, %mul3A_44 : i32
        %dma_start3A_46 = tpu.memref_slice %arg5[%mul3A_45] : memref<6400xi32, #tpu.memory_space<vmem>> -> memref<128xi32, #tpu.memory_space<vmem>>
        %dma_start3A_47 = arith.constant 0 : i32
        %dma_start3A_48 = arith.constant 0 : i32
        %dma_start3A_49 = tpu.memref_slice %arg3[%dma_start3A_47, %dma_start3A_48] : memref<100000x64xf32, #tpu.memory_space<hbm>> -> memref<100000x64xf32, #tpu.memory_space<hbm>>
        tpu.enqueue_indirect_dma source(%dma_start3A_49 : memref<100000x64xf32, #tpu.memory_space<hbm>>) target(%arg6 : memref<128x64xf32, #tpu.memory_space<vmem>>) offsets(%dma_start3A_46 : memref<128xi32, #tpu.memory_space<vmem>>) semaphore(%arg8 : memref<!tpu.dma_semaphore, #tpu.memory_space<semaphore_mem>>)
      } else {
      }
      %dma_wait3A_32 = arith.constant 0 : i32
      %dma_wait3A_33 = tpu.memref_slice %arg5[%dma_wait3A_32] : memref<6400xi32, #tpu.memory_space<vmem>> -> memref<128xi32, #tpu.memory_space<vmem>>
      %dma_wait3A_34 = arith.constant 0 : i32
      %dma_wait3A_35 = arith.constant 0 : i32
      %dma_wait3A_36 = tpu.memref_slice %arg3[%dma_wait3A_34, %dma_wait3A_35] : memref<100000x64xf32, #tpu.memory_space<hbm>> -> memref<100000x64xf32, #tpu.memory_space<hbm>>
      tpu.wait_indirect_dma semaphore(%arg9 : memref<!tpu.dma_semaphore, #tpu.memory_space<semaphore_mem>>) src(%dma_wait3A_36 : memref<100000x64xf32, #tpu.memory_space<hbm>>) dst(%arg7 : memref<128x64xf32, #tpu.memory_space<vmem>>)
      %add3A_37 = arith.constant 1 : i32
      %add3A_38 = arith.addi %mul3A_14, %add3A_37 : i32
      %mul3A_39 = arith.constant 128 : i32
      %mul3A_40 = arith.muli %add3A_38, %mul3A_39 : i32
      %add3A_41 = arith.addi %mul3A_2, %mul3A_40 : i32
      "tpu.region"() ({
        %run_scoped3A = tpu.sem_alloc : memref<!tpu.dma_semaphore, #tpu.memory_space<semaphore_mem>>
        %dma_start3A_42 = arith.constant 0 : i32
        %dma_start3A_43 = tpu.memref_slice %arg4[%add3A_41, %dma_start3A_42] : memref<204800x64xf32, #tpu.memory_space<hbm>> -> memref<128x64xf32, #tpu.memory_space<hbm>>
        %dma_start3A_44 = arith.constant 0 : i32
        %dma_start3A_45 = tpu.memref_slice %arg4[%add3A_41, %dma_start3A_44] : memref<204800x64xf32, #tpu.memory_space<hbm>> -> memref<128x64xf32, #tpu.memory_space<hbm>>
        tpu.enqueue_dma source(%arg7 : memref<128x64xf32, #tpu.memory_space<vmem>>) target(%dma_start3A_45 : memref<128x64xf32, #tpu.memory_space<hbm>>) target_semaphore(%run_scoped3A : memref<!tpu.dma_semaphore, #tpu.memory_space<semaphore_mem>>)
        %dma_wait3A_46 = arith.constant 0 : i32
        %dma_wait3A_47 = tpu.memref_slice %arg4[%add3A_41, %dma_wait3A_46] : memref<204800x64xf32, #tpu.memory_space<hbm>> -> memref<128x64xf32, #tpu.memory_space<hbm>>
        %dma_wait3A_48 = arith.constant 0 : i32
        %dma_wait3A_49 = tpu.memref_slice %arg4[%add3A_41, %dma_wait3A_48] : memref<204800x64xf32, #tpu.memory_space<hbm>> -> memref<128x64xf32, #tpu.memory_space<hbm>>
        tpu.wait_dma2 semaphore(%run_scoped3A : memref<!tpu.dma_semaphore, #tpu.memory_space<semaphore_mem>>) src(%arg7 : memref<128x64xf32, #tpu.memory_space<vmem>>) dst(%dma_wait3A_49 : memref<128x64xf32, #tpu.memory_space<hbm>>)
        tpu.yield
      }) : () -> ()
    }
    %scan3A_11 = arith.constant 25 : i32
    return
  }
}

module attributes {stable_mosaic.version = 14 : i64} {
  func.func @body(%arg0: i32, %arg1: memref<10x1024x128xf32, #tpu.memory_space<vmem>>, %arg2: memref<1280x1xf32, #tpu.memory_space<vmem>>, %arg3: memref<128x128xf32, #tpu.memory_space<vmem>>, %arg4: memref<128x1xf32, #tpu.memory_space<vmem>>, %arg5: memref<1280x1024xf32, #tpu.memory_space<vmem>>, %arg6: memref<10240x128xf32, #tpu.memory_space<vmem>>) attributes {dimension_semantics = [#tpu.dimension_semantics<arbitrary>], iteration_bounds = array<i64: 10>, scalar_prefetch = 0 : i64, scratch_operands = 0 : i64, tpu.core_type = #tpu.core_type<tc>, window_params = [{transform_indices = @transform_0, window_bounds = array<i64: 10, 1024, 128>}, {transform_indices = @transform_1, window_bounds = array<i64: 1280, 1>}, {pipeline_mode = #tpu.pipeline_mode<synchronous>, transform_indices = @transform_2, window_bounds = array<i64: 128, 128>}, {pipeline_mode = #tpu.pipeline_mode<synchronous>, transform_indices = @transform_3, window_bounds = array<i64: 128, 1>}, {transform_indices = @transform_4, window_bounds = array<i64: 1280, 1024>}, {transform_indices = @transform_5, window_bounds = array<i64: 10240, 128>}]} {
    %get3A = arith.constant 0 : index
    %get3A_0 = arith.constant 0 : index
    %get3A_1 = arith.constant 0 : index
    %get3A_2 = vector.load %arg1[%get3A, %get3A_0, %get3A_1] : memref<10x1024x128xf32, #tpu.memory_space<vmem>>, vector<1x1024x128xf32>
    %get3A_3 = vector.shape_cast %get3A_2 : vector<1x1024x128xf32> to vector<1024x128xf32>
    %transpose3A = tpu.transpose %get3A_3, [1, 0] : vector<1024x128xf32> -> vector<128x1024xf32>
    %get3A_4 = arith.constant 0 : index
    %get3A_5 = arith.constant 0 : index
    %get3A_6 = vector.load %arg2[%get3A_4, %get3A_5] : memref<1280x1xf32, #tpu.memory_space<vmem>>, vector<128x1xf32>
    %add3A = vector.broadcast %get3A_6 : vector<128x1xf32> to vector<128x1024xf32>
    %add3A_7 = arith.addf %transpose3A, %add3A : vector<128x1024xf32>
    %swap3A = arith.constant 0 : index
    %swap3A_8 = arith.constant 0 : index
    %swap3A_9 = vector.load %arg5[%swap3A, %swap3A_8] : memref<1280x1024xf32, #tpu.memory_space<vmem>>, vector<128x1024xf32>
    tpu.vector_store %arg5[%swap3A, %swap3A_8], %add3A_7 {strides = array<i32>} : memref<1280x1024xf32, #tpu.memory_space<vmem>>, vector<128x1024xf32>,
    %get3A_10 = arith.constant 0 : index
    %get3A_11 = arith.constant 0 : index
    %get3A_12 = vector.load %arg3[%get3A_10, %get3A_11] : memref<128x128xf32, #tpu.memory_space<vmem>>, vector<128x128xf32>
    %dot_general3A = arith.constant dense<0.000000e+00> : vector<128x1024xf32>
    %dot_general3A_13 = tpu.matmul %get3A_12, %add3A_7, %dot_general3A {dimension_numbers = #tpu.dot_dimension_numbers<[1], [0], [0], [1], [0, 0, 1, 1], [], []>, transpose_lhs_hint = false} : vector<128x128xf32>, vector<128x1024xf32>, vector<128x1024xf32> -> vector<128x1024xf32>
    %get3A_14 = arith.constant 0 : index
    %get3A_15 = arith.constant 0 : index
    %get3A_16 = vector.load %arg4[%get3A_14, %get3A_15] : memref<128x1xf32, #tpu.memory_space<vmem>>, vector<128x1xf32>
    %add3A_17 = vector.broadcast %get3A_16 : vector<128x1xf32> to vector<128x1024xf32>
    %add3A_18 = arith.addf %dot_general3A_13, %add3A_17 : vector<128x1024xf32>
    %logistic3A = arith.negf %add3A_18 : vector<128x1024xf32>
    %logistic3A_19 = math.exp %logistic3A : vector<128x1024xf32>
    %logistic3A_20 = arith.constant 1.000000e+00 : f32
    %logistic3A_21 = vector.broadcast %logistic3A_20 : f32 to vector<128x1024xf32>
    %logistic3A_22 = arith.addf %logistic3A_21, %logistic3A_19 : vector<128x1024xf32>
    %logistic3A_23 = arith.divf %logistic3A_21, %logistic3A_22 : vector<128x1024xf32>
    %reshape3A = vector.shape_cast %logistic3A_23 : vector<128x1024xf32> to vector<32x4x8x128xf32>
    %transpose3A_24 = tpu.transpose %reshape3A, [0, 2, 1, 3] : vector<32x4x8x128xf32> -> vector<32x8x4x128xf32>
    %reshape3A_25 = vector.shape_cast %transpose3A_24 : vector<32x8x4x128xf32> to vector<1024x128xf32>
    %swap3A_26 = arith.constant 0 : index
    %swap3A_27 = arith.constant 0 : index
    %swap3A_28 = vector.load %arg6[%swap3A_26, %swap3A_27] : memref<10240x128xf32, #tpu.memory_space<vmem>>, vector<1024x128xf32>
    tpu.vector_store %arg6[%swap3A_26, %swap3A_27], %reshape3A_25 {strides = array<i32>} : memref<10240x128xf32, #tpu.memory_space<vmem>>, vector<1024x128xf32>,
    %get3A_29 = arith.constant 1 : index
    %get3A_30 = arith.constant 0 : index
    %get3A_31 = arith.constant 0 : index
    %get3A_32 = vector.load %arg1[%get3A_29, %get3A_30, %get3A_31] : memref<10x1024x128xf32, #tpu.memory_space<vmem>>, vector<1x1024x128xf32>
    %get3A_33 = vector.shape_cast %get3A_32 : vector<1x1024x128xf32> to vector<1024x128xf32>
    %transpose3A_34 = tpu.transpose %get3A_33, [1, 0] : vector<1024x128xf32> -> vector<128x1024xf32>
    %get3A_35 = arith.constant 128 : index
    %get3A_36 = arith.constant 0 : index
    %get3A_37 = vector.load %arg2[%get3A_35, %get3A_36] : memref<1280x1xf32, #tpu.memory_space<vmem>>, vector<128x1xf32>
    %add3A_38 = vector.broadcast %get3A_37 : vector<128x1xf32> to vector<128x1024xf32>
    %add3A_39 = arith.addf %transpose3A_34, %add3A_38 : vector<128x1024xf32>
    %swap3A_40 = arith.constant 128 : index
    %swap3A_41 = arith.constant 0 : index
    %swap3A_42 = vector.load %arg5[%swap3A_40, %swap3A_41] : memref<1280x1024xf32, #tpu.memory_space<vmem>>, vector<128x1024xf32>
    tpu.vector_store %arg5[%swap3A_40, %swap3A_41], %add3A_39 {strides = array<i32>} : memref<1280x1024xf32, #tpu.memory_space<vmem>>, vector<128x1024xf32>,
    %get3A_43 = arith.constant 0 : index
    %get3A_44 = arith.constant 0 : index
    %get3A_45 = vector.load %arg3[%get3A_43, %get3A_44] : memref<128x128xf32, #tpu.memory_space<vmem>>, vector<128x128xf32>
    %dot_general3A_46 = arith.constant dense<0.000000e+00> : vector<128x1024xf32>
    %dot_general3A_47 = tpu.matmul %get3A_45, %add3A_39, %dot_general3A_46 {dimension_numbers = #tpu.dot_dimension_numbers<[1], [0], [0], [1], [0, 0, 1, 1], [], []>, transpose_lhs_hint = false} : vector<128x128xf32>, vector<128x1024xf32>, vector<128x1024xf32> -> vector<128x1024xf32>
    %get3A_48 = arith.constant 0 : index
    %get3A_49 = arith.constant 0 : index
    %get3A_50 = vector.load %arg4[%get3A_48, %get3A_49] : memref<128x1xf32, #tpu.memory_space<vmem>>, vector<128x1xf32>
    %add3A_51 = vector.broadcast %get3A_50 : vector<128x1xf32> to vector<128x1024xf32>
    %add3A_52 = arith.addf %dot_general3A_47, %add3A_51 : vector<128x1024xf32>
    %logistic3A_53 = arith.negf %add3A_52 : vector<128x1024xf32>
    %logistic3A_54 = math.exp %logistic3A_53 : vector<128x1024xf32>
    %logistic3A_55 = arith.constant 1.000000e+00 : f32
    %logistic3A_56 = vector.broadcast %logistic3A_55 : f32 to vector<128x1024xf32>
    %logistic3A_57 = arith.addf %logistic3A_56, %logistic3A_54 : vector<128x1024xf32>
    %logistic3A_58 = arith.divf %logistic3A_56, %logistic3A_57 : vector<128x1024xf32>
    %reshape3A_59 = vector.shape_cast %logistic3A_58 : vector<128x1024xf32> to vector<32x4x8x128xf32>
    %transpose3A_60 = tpu.transpose %reshape3A_59, [0, 2, 1, 3] : vector<32x4x8x128xf32> -> vector<32x8x4x128xf32>
    %reshape3A_61 = vector.shape_cast %transpose3A_60 : vector<32x8x4x128xf32> to vector<1024x128xf32>
    %swap3A_62 = arith.constant 1024 : index
    %swap3A_63 = arith.constant 0 : index
    %swap3A_64 = vector.load %arg6[%swap3A_62, %swap3A_63] : memref<10240x128xf32, #tpu.memory_space<vmem>>, vector<1024x128xf32>
    tpu.vector_store %arg6[%swap3A_62, %swap3A_63], %reshape3A_61 {strides = array<i32>} : memref<10240x128xf32, #tpu.memory_space<vmem>>, vector<1024x128xf32>,
    %get3A_65 = arith.constant 2 : index
    %get3A_66 = arith.constant 0 : index
    %get3A_67 = arith.constant 0 : index
    %get3A_68 = vector.load %arg1[%get3A_65, %get3A_66, %get3A_67] : memref<10x1024x128xf32, #tpu.memory_space<vmem>>, vector<1x1024x128xf32>
    %get3A_69 = vector.shape_cast %get3A_68 : vector<1x1024x128xf32> to vector<1024x128xf32>
    %transpose3A_70 = tpu.transpose %get3A_69, [1, 0] : vector<1024x128xf32> -> vector<128x1024xf32>
    %get3A_71 = arith.constant 256 : index
    %get3A_72 = arith.constant 0 : index
    %get3A_73 = vector.load %arg2[%get3A_71, %get3A_72] : memref<1280x1xf32, #tpu.memory_space<vmem>>, vector<128x1xf32>
    %add3A_74 = vector.broadcast %get3A_73 : vector<128x1xf32> to vector<128x1024xf32>
    %add3A_75 = arith.addf %transpose3A_70, %add3A_74 : vector<128x1024xf32>
    %swap3A_76 = arith.constant 256 : index
    %swap3A_77 = arith.constant 0 : index
    %swap3A_78 = vector.load %arg5[%swap3A_76, %swap3A_77] : memref<1280x1024xf32, #tpu.memory_space<vmem>>, vector<128x1024xf32>
    tpu.vector_store %arg5[%swap3A_76, %swap3A_77], %add3A_75 {strides = array<i32>} : memref<1280x1024xf32, #tpu.memory_space<vmem>>, vector<128x1024xf32>,
    %get3A_79 = arith.constant 0 : index
    %get3A_80 = arith.constant 0 : index
    %get3A_81 = vector.load %arg3[%get3A_79, %get3A_80] : memref<128x128xf32, #tpu.memory_space<vmem>>, vector<128x128xf32>
    %dot_general3A_82 = arith.constant dense<0.000000e+00> : vector<128x1024xf32>
    %dot_general3A_83 = tpu.matmul %get3A_81, %add3A_75, %dot_general3A_82 {dimension_numbers = #tpu.dot_dimension_numbers<[1], [0], [0], [1], [0, 0, 1, 1], [], []>, transpose_lhs_hint = false} : vector<128x128xf32>, vector<128x1024xf32>, vector<128x1024xf32> -> vector<128x1024xf32>
    %get3A_84 = arith.constant 0 : index
    %get3A_85 = arith.constant 0 : index
    %get3A_86 = vector.load %arg4[%get3A_84, %get3A_85] : memref<128x1xf32, #tpu.memory_space<vmem>>, vector<128x1xf32>
    %add3A_87 = vector.broadcast %get3A_86 : vector<128x1xf32> to vector<128x1024xf32>
    %add3A_88 = arith.addf %dot_general3A_83, %add3A_87 : vector<128x1024xf32>
    %logistic3A_89 = arith.negf %add3A_88 : vector<128x1024xf32>
    %logistic3A_90 = math.exp %logistic3A_89 : vector<128x1024xf32>
    %logistic3A_91 = arith.constant 1.000000e+00 : f32
    %logistic3A_92 = vector.broadcast %logistic3A_91 : f32 to vector<128x1024xf32>
    %logistic3A_93 = arith.addf %logistic3A_92, %logistic3A_90 : vector<128x1024xf32>
    %logistic3A_94 = arith.divf %logistic3A_92, %logistic3A_93 : vector<128x1024xf32>
    %reshape3A_95 = vector.shape_cast %logistic3A_94 : vector<128x1024xf32> to vector<32x4x8x128xf32>
    %transpose3A_96 = tpu.transpose %reshape3A_95, [0, 2, 1, 3] : vector<32x4x8x128xf32> -> vector<32x8x4x128xf32>
    %reshape3A_97 = vector.shape_cast %transpose3A_96 : vector<32x8x4x128xf32> to vector<1024x128xf32>
    %swap3A_98 = arith.constant 2048 : index
    %swap3A_99 = arith.constant 0 : index
    %swap3A_100 = vector.load %arg6[%swap3A_98, %swap3A_99] : memref<10240x128xf32, #tpu.memory_space<vmem>>, vector<1024x128xf32>
    tpu.vector_store %arg6[%swap3A_98, %swap3A_99], %reshape3A_97 {strides = array<i32>} : memref<10240x128xf32, #tpu.memory_space<vmem>>, vector<1024x128xf32>,
    %get3A_101 = arith.constant 3 : index
    %get3A_102 = arith.constant 0 : index
    %get3A_103 = arith.constant 0 : index
    %get3A_104 = vector.load %arg1[%get3A_101, %get3A_102, %get3A_103] : memref<10x1024x128xf32, #tpu.memory_space<vmem>>, vector<1x1024x128xf32>
    %get3A_105 = vector.shape_cast %get3A_104 : vector<1x1024x128xf32> to vector<1024x128xf32>
    %transpose3A_106 = tpu.transpose %get3A_105, [1, 0] : vector<1024x128xf32> -> vector<128x1024xf32>
    %get3A_107 = arith.constant 384 : index
    %get3A_108 = arith.constant 0 : index
    %get3A_109 = vector.load %arg2[%get3A_107, %get3A_108] : memref<1280x1xf32, #tpu.memory_space<vmem>>, vector<128x1xf32>
    %add3A_110 = vector.broadcast %get3A_109 : vector<128x1xf32> to vector<128x1024xf32>
    %add3A_111 = arith.addf %transpose3A_106, %add3A_110 : vector<128x1024xf32>
    %swap3A_112 = arith.constant 384 : index
    %swap3A_113 = arith.constant 0 : index
    %swap3A_114 = vector.load %arg5[%swap3A_112, %swap3A_113] : memref<1280x1024xf32, #tpu.memory_space<vmem>>, vector<128x1024xf32>
    tpu.vector_store %arg5[%swap3A_112, %swap3A_113], %add3A_111 {strides = array<i32>} : memref<1280x1024xf32, #tpu.memory_space<vmem>>, vector<128x1024xf32>,
    %get3A_115 = arith.constant 0 : index
    %get3A_116 = arith.constant 0 : index
    %get3A_117 = vector.load %arg3[%get3A_115, %get3A_116] : memref<128x128xf32, #tpu.memory_space<vmem>>, vector<128x128xf32>
    %dot_general3A_118 = arith.constant dense<0.000000e+00> : vector<128x1024xf32>
    %dot_general3A_119 = tpu.matmul %get3A_117, %add3A_111, %dot_general3A_118 {dimension_numbers = #tpu.dot_dimension_numbers<[1], [0], [0], [1], [0, 0, 1, 1], [], []>, transpose_lhs_hint = false} : vector<128x128xf32>, vector<128x1024xf32>, vector<128x1024xf32> -> vector<128x1024xf32>
    %get3A_120 = arith.constant 0 : index
    %get3A_121 = arith.constant 0 : index
    %get3A_122 = vector.load %arg4[%get3A_120, %get3A_121] : memref<128x1xf32, #tpu.memory_space<vmem>>, vector<128x1xf32>
    %add3A_123 = vector.broadcast %get3A_122 : vector<128x1xf32> to vector<128x1024xf32>
    %add3A_124 = arith.addf %dot_general3A_119, %add3A_123 : vector<128x1024xf32>
    %logistic3A_125 = arith.negf %add3A_124 : vector<128x1024xf32>
    %logistic3A_126 = math.exp %logistic3A_125 : vector<128x1024xf32>
    %logistic3A_127 = arith.constant 1.000000e+00 : f32
    %logistic3A_128 = vector.broadcast %logistic3A_127 : f32 to vector<128x1024xf32>
    %logistic3A_129 = arith.addf %logistic3A_128, %logistic3A_126 : vector<128x1024xf32>
    %logistic3A_130 = arith.divf %logistic3A_128, %logistic3A_129 : vector<128x1024xf32>
    %reshape3A_131 = vector.shape_cast %logistic3A_130 : vector<128x1024xf32> to vector<32x4x8x128xf32>
    %transpose3A_132 = tpu.transpose %reshape3A_131, [0, 2, 1, 3] : vector<32x4x8x128xf32> -> vector<32x8x4x128xf32>
    %reshape3A_133 = vector.shape_cast %transpose3A_132 : vector<32x8x4x128xf32> to vector<1024x128xf32>
    %swap3A_134 = arith.constant 3072 : index
    %swap3A_135 = arith.constant 0 : index
    %swap3A_136 = vector.load %arg6[%swap3A_134, %swap3A_135] : memref<10240x128xf32, #tpu.memory_space<vmem>>, vector<1024x128xf32>
    tpu.vector_store %arg6[%swap3A_134, %swap3A_135], %reshape3A_133 {strides = array<i32>} : memref<10240x128xf32, #tpu.memory_space<vmem>>, vector<1024x128xf32>,
    %get3A_137 = arith.constant 4 : index
    %get3A_138 = arith.constant 0 : index
    %get3A_139 = arith.constant 0 : index
    %get3A_140 = vector.load %arg1[%get3A_137, %get3A_138, %get3A_139] : memref<10x1024x128xf32, #tpu.memory_space<vmem>>, vector<1x1024x128xf32>
    %get3A_141 = vector.shape_cast %get3A_140 : vector<1x1024x128xf32> to vector<1024x128xf32>
    %transpose3A_142 = tpu.transpose %get3A_141, [1, 0] : vector<1024x128xf32> -> vector<128x1024xf32>
    %get3A_143 = arith.constant 512 : index
    %get3A_144 = arith.constant 0 : index
    %get3A_145 = vector.load %arg2[%get3A_143, %get3A_144] : memref<1280x1xf32, #tpu.memory_space<vmem>>, vector<128x1xf32>
    %add3A_146 = vector.broadcast %get3A_145 : vector<128x1xf32> to vector<128x1024xf32>
    %add3A_147 = arith.addf %transpose3A_142, %add3A_146 : vector<128x1024xf32>
    %swap3A_148 = arith.constant 512 : index
    %swap3A_149 = arith.constant 0 : index
    %swap3A_150 = vector.load %arg5[%swap3A_148, %swap3A_149] : memref<1280x1024xf32, #tpu.memory_space<vmem>>, vector<128x1024xf32>
    tpu.vector_store %arg5[%swap3A_148, %swap3A_149], %add3A_147 {strides = array<i32>} : memref<1280x1024xf32, #tpu.memory_space<vmem>>, vector<128x1024xf32>,
    %get3A_151 = arith.constant 0 : index
    %get3A_152 = arith.constant 0 : index
    %get3A_153 = vector.load %arg3[%get3A_151, %get3A_152] : memref<128x128xf32, #tpu.memory_space<vmem>>, vector<128x128xf32>
    %dot_general3A_154 = arith.constant dense<0.000000e+00> : vector<128x1024xf32>
    %dot_general3A_155 = tpu.matmul %get3A_153, %add3A_147, %dot_general3A_154 {dimension_numbers = #tpu.dot_dimension_numbers<[1], [0], [0], [1], [0, 0, 1, 1], [], []>, transpose_lhs_hint = false} : vector<128x128xf32>, vector<128x1024xf32>, vector<128x1024xf32> -> vector<128x1024xf32>
    %get3A_156 = arith.constant 0 : index
    %get3A_157 = arith.constant 0 : index
    %get3A_158 = vector.load %arg4[%get3A_156, %get3A_157] : memref<128x1xf32, #tpu.memory_space<vmem>>, vector<128x1xf32>
    %add3A_159 = vector.broadcast %get3A_158 : vector<128x1xf32> to vector<128x1024xf32>
    %add3A_160 = arith.addf %dot_general3A_155, %add3A_159 : vector<128x1024xf32>
    %logistic3A_161 = arith.negf %add3A_160 : vector<128x1024xf32>
    %logistic3A_162 = math.exp %logistic3A_161 : vector<128x1024xf32>
    %logistic3A_163 = arith.constant 1.000000e+00 : f32
    %logistic3A_164 = vector.broadcast %logistic3A_163 : f32 to vector<128x1024xf32>
    %logistic3A_165 = arith.addf %logistic3A_164, %logistic3A_162 : vector<128x1024xf32>
    %logistic3A_166 = arith.divf %logistic3A_164, %logistic3A_165 : vector<128x1024xf32>
    %reshape3A_167 = vector.shape_cast %logistic3A_166 : vector<128x1024xf32> to vector<32x4x8x128xf32>
    %transpose3A_168 = tpu.transpose %reshape3A_167, [0, 2, 1, 3] : vector<32x4x8x128xf32> -> vector<32x8x4x128xf32>
    %reshape3A_169 = vector.shape_cast %transpose3A_168 : vector<32x8x4x128xf32> to vector<1024x128xf32>
    %swap3A_170 = arith.constant 4096 : index
    %swap3A_171 = arith.constant 0 : index
    %swap3A_172 = vector.load %arg6[%swap3A_170, %swap3A_171] : memref<10240x128xf32, #tpu.memory_space<vmem>>, vector<1024x128xf32>
    tpu.vector_store %arg6[%swap3A_170, %swap3A_171], %reshape3A_169 {strides = array<i32>} : memref<10240x128xf32, #tpu.memory_space<vmem>>, vector<1024x128xf32>,
    %get3A_173 = arith.constant 5 : index
    %get3A_174 = arith.constant 0 : index
    %get3A_175 = arith.constant 0 : index
    %get3A_176 = vector.load %arg1[%get3A_173, %get3A_174, %get3A_175] : memref<10x1024x128xf32, #tpu.memory_space<vmem>>, vector<1x1024x128xf32>
    %get3A_177 = vector.shape_cast %get3A_176 : vector<1x1024x128xf32> to vector<1024x128xf32>
    %transpose3A_178 = tpu.transpose %get3A_177, [1, 0] : vector<1024x128xf32> -> vector<128x1024xf32>
    %get3A_179 = arith.constant 640 : index
    %get3A_180 = arith.constant 0 : index
    %get3A_181 = vector.load %arg2[%get3A_179, %get3A_180] : memref<1280x1xf32, #tpu.memory_space<vmem>>, vector<128x1xf32>
    %add3A_182 = vector.broadcast %get3A_181 : vector<128x1xf32> to vector<128x1024xf32>
    %add3A_183 = arith.addf %transpose3A_178, %add3A_182 : vector<128x1024xf32>
    %swap3A_184 = arith.constant 640 : index
    %swap3A_185 = arith.constant 0 : index
    %swap3A_186 = vector.load %arg5[%swap3A_184, %swap3A_185] : memref<1280x1024xf32, #tpu.memory_space<vmem>>, vector<128x1024xf32>
    tpu.vector_store %arg5[%swap3A_184, %swap3A_185], %add3A_183 {strides = array<i32>} : memref<1280x1024xf32, #tpu.memory_space<vmem>>, vector<128x1024xf32>,
    %get3A_187 = arith.constant 0 : index
    %get3A_188 = arith.constant 0 : index
    %get3A_189 = vector.load %arg3[%get3A_187, %get3A_188] : memref<128x128xf32, #tpu.memory_space<vmem>>, vector<128x128xf32>
    %dot_general3A_190 = arith.constant dense<0.000000e+00> : vector<128x1024xf32>
    %dot_general3A_191 = tpu.matmul %get3A_189, %add3A_183, %dot_general3A_190 {dimension_numbers = #tpu.dot_dimension_numbers<[1], [0], [0], [1], [0, 0, 1, 1], [], []>, transpose_lhs_hint = false} : vector<128x128xf32>, vector<128x1024xf32>, vector<128x1024xf32> -> vector<128x1024xf32>
    %get3A_192 = arith.constant 0 : index
    %get3A_193 = arith.constant 0 : index
    %get3A_194 = vector.load %arg4[%get3A_192, %get3A_193] : memref<128x1xf32, #tpu.memory_space<vmem>>, vector<128x1xf32>
    %add3A_195 = vector.broadcast %get3A_194 : vector<128x1xf32> to vector<128x1024xf32>
    %add3A_196 = arith.addf %dot_general3A_191, %add3A_195 : vector<128x1024xf32>
    %logistic3A_197 = arith.negf %add3A_196 : vector<128x1024xf32>
    %logistic3A_198 = math.exp %logistic3A_197 : vector<128x1024xf32>
    %logistic3A_199 = arith.constant 1.000000e+00 : f32
    %logistic3A_200 = vector.broadcast %logistic3A_199 : f32 to vector<128x1024xf32>
    %logistic3A_201 = arith.addf %logistic3A_200, %logistic3A_198 : vector<128x1024xf32>
    %logistic3A_202 = arith.divf %logistic3A_200, %logistic3A_201 : vector<128x1024xf32>
    %reshape3A_203 = vector.shape_cast %logistic3A_202 : vector<128x1024xf32> to vector<32x4x8x128xf32>
    %transpose3A_204 = tpu.transpose %reshape3A_203, [0, 2, 1, 3] : vector<32x4x8x128xf32> -> vector<32x8x4x128xf32>
    %reshape3A_205 = vector.shape_cast %transpose3A_204 : vector<32x8x4x128xf32> to vector<1024x128xf32>
    %swap3A_206 = arith.constant 5120 : index
    %swap3A_207 = arith.constant 0 : index
    %swap3A_208 = vector.load %arg6[%swap3A_206, %swap3A_207] : memref<10240x128xf32, #tpu.memory_space<vmem>>, vector<1024x128xf32>
    tpu.vector_store %arg6[%swap3A_206, %swap3A_207], %reshape3A_205 {strides = array<i32>} : memref<10240x128xf32, #tpu.memory_space<vmem>>, vector<1024x128xf32>,
    %get3A_209 = arith.constant 6 : index
    %get3A_210 = arith.constant 0 : index
    %get3A_211 = arith.constant 0 : index
    %get3A_212 = vector.load %arg1[%get3A_209, %get3A_210, %get3A_211] : memref<10x1024x128xf32, #tpu.memory_space<vmem>>, vector<1x1024x128xf32>
    %get3A_213 = vector.shape_cast %get3A_212 : vector<1x1024x128xf32> to vector<1024x128xf32>
    %transpose3A_214 = tpu.transpose %get3A_213, [1, 0] : vector<1024x128xf32> -> vector<128x1024xf32>
    %get3A_215 = arith.constant 768 : index
    %get3A_216 = arith.constant 0 : index
    %get3A_217 = vector.load %arg2[%get3A_215, %get3A_216] : memref<1280x1xf32, #tpu.memory_space<vmem>>, vector<128x1xf32>
    %add3A_218 = vector.broadcast %get3A_217 : vector<128x1xf32> to vector<128x1024xf32>
    %add3A_219 = arith.addf %transpose3A_214, %add3A_218 : vector<128x1024xf32>
    %swap3A_220 = arith.constant 768 : index
    %swap3A_221 = arith.constant 0 : index
    %swap3A_222 = vector.load %arg5[%swap3A_220, %swap3A_221] : memref<1280x1024xf32, #tpu.memory_space<vmem>>, vector<128x1024xf32>
    tpu.vector_store %arg5[%swap3A_220, %swap3A_221], %add3A_219 {strides = array<i32>} : memref<1280x1024xf32, #tpu.memory_space<vmem>>, vector<128x1024xf32>,
    %get3A_223 = arith.constant 0 : index
    %get3A_224 = arith.constant 0 : index
    %get3A_225 = vector.load %arg3[%get3A_223, %get3A_224] : memref<128x128xf32, #tpu.memory_space<vmem>>, vector<128x128xf32>
    %dot_general3A_226 = arith.constant dense<0.000000e+00> : vector<128x1024xf32>
    %dot_general3A_227 = tpu.matmul %get3A_225, %add3A_219, %dot_general3A_226 {dimension_numbers = #tpu.dot_dimension_numbers<[1], [0], [0], [1], [0, 0, 1, 1], [], []>, transpose_lhs_hint = false} : vector<128x128xf32>, vector<128x1024xf32>, vector<128x1024xf32> -> vector<128x1024xf32>
    %get3A_228 = arith.constant 0 : index
    %get3A_229 = arith.constant 0 : index
    %get3A_230 = vector.load %arg4[%get3A_228, %get3A_229] : memref<128x1xf32, #tpu.memory_space<vmem>>, vector<128x1xf32>
    %add3A_231 = vector.broadcast %get3A_230 : vector<128x1xf32> to vector<128x1024xf32>
    %add3A_232 = arith.addf %dot_general3A_227, %add3A_231 : vector<128x1024xf32>
    %logistic3A_233 = arith.negf %add3A_232 : vector<128x1024xf32>
    %logistic3A_234 = math.exp %logistic3A_233 : vector<128x1024xf32>
    %logistic3A_235 = arith.constant 1.000000e+00 : f32
    %logistic3A_236 = vector.broadcast %logistic3A_235 : f32 to vector<128x1024xf32>
    %logistic3A_237 = arith.addf %logistic3A_236, %logistic3A_234 : vector<128x1024xf32>
    %logistic3A_238 = arith.divf %logistic3A_236, %logistic3A_237 : vector<128x1024xf32>
    %reshape3A_239 = vector.shape_cast %logistic3A_238 : vector<128x1024xf32> to vector<32x4x8x128xf32>
    %transpose3A_240 = tpu.transpose %reshape3A_239, [0, 2, 1, 3] : vector<32x4x8x128xf32> -> vector<32x8x4x128xf32>
    %reshape3A_241 = vector.shape_cast %transpose3A_240 : vector<32x8x4x128xf32> to vector<1024x128xf32>
    %swap3A_242 = arith.constant 6144 : index
    %swap3A_243 = arith.constant 0 : index
    %swap3A_244 = vector.load %arg6[%swap3A_242, %swap3A_243] : memref<10240x128xf32, #tpu.memory_space<vmem>>, vector<1024x128xf32>
    tpu.vector_store %arg6[%swap3A_242, %swap3A_243], %reshape3A_241 {strides = array<i32>} : memref<10240x128xf32, #tpu.memory_space<vmem>>, vector<1024x128xf32>,
    %get3A_245 = arith.constant 7 : index
    %get3A_246 = arith.constant 0 : index
    %get3A_247 = arith.constant 0 : index
    %get3A_248 = vector.load %arg1[%get3A_245, %get3A_246, %get3A_247] : memref<10x1024x128xf32, #tpu.memory_space<vmem>>, vector<1x1024x128xf32>
    %get3A_249 = vector.shape_cast %get3A_248 : vector<1x1024x128xf32> to vector<1024x128xf32>
    %transpose3A_250 = tpu.transpose %get3A_249, [1, 0] : vector<1024x128xf32> -> vector<128x1024xf32>
    %get3A_251 = arith.constant 896 : index
    %get3A_252 = arith.constant 0 : index
    %get3A_253 = vector.load %arg2[%get3A_251, %get3A_252] : memref<1280x1xf32, #tpu.memory_space<vmem>>, vector<128x1xf32>
    %add3A_254 = vector.broadcast %get3A_253 : vector<128x1xf32> to vector<128x1024xf32>
    %add3A_255 = arith.addf %transpose3A_250, %add3A_254 : vector<128x1024xf32>
    %swap3A_256 = arith.constant 896 : index
    %swap3A_257 = arith.constant 0 : index
    %swap3A_258 = vector.load %arg5[%swap3A_256, %swap3A_257] : memref<1280x1024xf32, #tpu.memory_space<vmem>>, vector<128x1024xf32>
    tpu.vector_store %arg5[%swap3A_256, %swap3A_257], %add3A_255 {strides = array<i32>} : memref<1280x1024xf32, #tpu.memory_space<vmem>>, vector<128x1024xf32>,
    %get3A_259 = arith.constant 0 : index
    %get3A_260 = arith.constant 0 : index
    %get3A_261 = vector.load %arg3[%get3A_259, %get3A_260] : memref<128x128xf32, #tpu.memory_space<vmem>>, vector<128x128xf32>
    %dot_general3A_262 = arith.constant dense<0.000000e+00> : vector<128x1024xf32>
    %dot_general3A_263 = tpu.matmul %get3A_261, %add3A_255, %dot_general3A_262 {dimension_numbers = #tpu.dot_dimension_numbers<[1], [0], [0], [1], [0, 0, 1, 1], [], []>, transpose_lhs_hint = false} : vector<128x128xf32>, vector<128x1024xf32>, vector<128x1024xf32> -> vector<128x1024xf32>
    %get3A_264 = arith.constant 0 : index
    %get3A_265 = arith.constant 0 : index
    %get3A_266 = vector.load %arg4[%get3A_264, %get3A_265] : memref<128x1xf32, #tpu.memory_space<vmem>>, vector<128x1xf32>
    %add3A_267 = vector.broadcast %get3A_266 : vector<128x1xf32> to vector<128x1024xf32>
    %add3A_268 = arith.addf %dot_general3A_263, %add3A_267 : vector<128x1024xf32>
    %logistic3A_269 = arith.negf %add3A_268 : vector<128x1024xf32>
    %logistic3A_270 = math.exp %logistic3A_269 : vector<128x1024xf32>
    %logistic3A_271 = arith.constant 1.000000e+00 : f32
    %logistic3A_272 = vector.broadcast %logistic3A_271 : f32 to vector<128x1024xf32>
    %logistic3A_273 = arith.addf %logistic3A_272, %logistic3A_270 : vector<128x1024xf32>
    %logistic3A_274 = arith.divf %logistic3A_272, %logistic3A_273 : vector<128x1024xf32>
    %reshape3A_275 = vector.shape_cast %logistic3A_274 : vector<128x1024xf32> to vector<32x4x8x128xf32>
    %transpose3A_276 = tpu.transpose %reshape3A_275, [0, 2, 1, 3] : vector<32x4x8x128xf32> -> vector<32x8x4x128xf32>
    %reshape3A_277 = vector.shape_cast %transpose3A_276 : vector<32x8x4x128xf32> to vector<1024x128xf32>
    %swap3A_278 = arith.constant 7168 : index
    %swap3A_279 = arith.constant 0 : index
    %swap3A_280 = vector.load %arg6[%swap3A_278, %swap3A_279] : memref<10240x128xf32, #tpu.memory_space<vmem>>, vector<1024x128xf32>
    tpu.vector_store %arg6[%swap3A_278, %swap3A_279], %reshape3A_277 {strides = array<i32>} : memref<10240x128xf32, #tpu.memory_space<vmem>>, vector<1024x128xf32>,
    %get3A_281 = arith.constant 8 : index
    %get3A_282 = arith.constant 0 : index
    %get3A_283 = arith.constant 0 : index
    %get3A_284 = vector.load %arg1[%get3A_281, %get3A_282, %get3A_283] : memref<10x1024x128xf32, #tpu.memory_space<vmem>>, vector<1x1024x128xf32>
    %get3A_285 = vector.shape_cast %get3A_284 : vector<1x1024x128xf32> to vector<1024x128xf32>
    %transpose3A_286 = tpu.transpose %get3A_285, [1, 0] : vector<1024x128xf32> -> vector<128x1024xf32>
    %get3A_287 = arith.constant 1024 : index
    %get3A_288 = arith.constant 0 : index
    %get3A_289 = vector.load %arg2[%get3A_287, %get3A_288] : memref<1280x1xf32, #tpu.memory_space<vmem>>, vector<128x1xf32>
    %add3A_290 = vector.broadcast %get3A_289 : vector<128x1xf32> to vector<128x1024xf32>
    %add3A_291 = arith.addf %transpose3A_286, %add3A_290 : vector<128x1024xf32>
    %swap3A_292 = arith.constant 1024 : index
    %swap3A_293 = arith.constant 0 : index
    %swap3A_294 = vector.load %arg5[%swap3A_292, %swap3A_293] : memref<1280x1024xf32, #tpu.memory_space<vmem>>, vector<128x1024xf32>
    tpu.vector_store %arg5[%swap3A_292, %swap3A_293], %add3A_291 {strides = array<i32>} : memref<1280x1024xf32, #tpu.memory_space<vmem>>, vector<128x1024xf32>,
    %get3A_295 = arith.constant 0 : index
    %get3A_296 = arith.constant 0 : index
    %get3A_297 = vector.load %arg3[%get3A_295, %get3A_296] : memref<128x128xf32, #tpu.memory_space<vmem>>, vector<128x128xf32>
    %dot_general3A_298 = arith.constant dense<0.000000e+00> : vector<128x1024xf32>
    %dot_general3A_299 = tpu.matmul %get3A_297, %add3A_291, %dot_general3A_298 {dimension_numbers = #tpu.dot_dimension_numbers<[1], [0], [0], [1], [0, 0, 1, 1], [], []>, transpose_lhs_hint = false} : vector<128x128xf32>, vector<128x1024xf32>, vector<128x1024xf32> -> vector<128x1024xf32>
    %get3A_300 = arith.constant 0 : index
    %get3A_301 = arith.constant 0 : index
    %get3A_302 = vector.load %arg4[%get3A_300, %get3A_301] : memref<128x1xf32, #tpu.memory_space<vmem>>, vector<128x1xf32>
    %add3A_303 = vector.broadcast %get3A_302 : vector<128x1xf32> to vector<128x1024xf32>
    %add3A_304 = arith.addf %dot_general3A_299, %add3A_303 : vector<128x1024xf32>
    %logistic3A_305 = arith.negf %add3A_304 : vector<128x1024xf32>
    %logistic3A_306 = math.exp %logistic3A_305 : vector<128x1024xf32>
    %logistic3A_307 = arith.constant 1.000000e+00 : f32
    %logistic3A_308 = vector.broadcast %logistic3A_307 : f32 to vector<128x1024xf32>
    %logistic3A_309 = arith.addf %logistic3A_308, %logistic3A_306 : vector<128x1024xf32>
    %logistic3A_310 = arith.divf %logistic3A_308, %logistic3A_309 : vector<128x1024xf32>
    %reshape3A_311 = vector.shape_cast %logistic3A_310 : vector<128x1024xf32> to vector<32x4x8x128xf32>
    %transpose3A_312 = tpu.transpose %reshape3A_311, [0, 2, 1, 3] : vector<32x4x8x128xf32> -> vector<32x8x4x128xf32>
    %reshape3A_313 = vector.shape_cast %transpose3A_312 : vector<32x8x4x128xf32> to vector<1024x128xf32>
    %swap3A_314 = arith.constant 8192 : index
    %swap3A_315 = arith.constant 0 : index
    %swap3A_316 = vector.load %arg6[%swap3A_314, %swap3A_315] : memref<10240x128xf32, #tpu.memory_space<vmem>>, vector<1024x128xf32>
    tpu.vector_store %arg6[%swap3A_314, %swap3A_315], %reshape3A_313 {strides = array<i32>} : memref<10240x128xf32, #tpu.memory_space<vmem>>, vector<1024x128xf32>,
    %get3A_317 = arith.constant 9 : index
    %get3A_318 = arith.constant 0 : index
    %get3A_319 = arith.constant 0 : index
    %get3A_320 = vector.load %arg1[%get3A_317, %get3A_318, %get3A_319] : memref<10x1024x128xf32, #tpu.memory_space<vmem>>, vector<1x1024x128xf32>
    %get3A_321 = vector.shape_cast %get3A_320 : vector<1x1024x128xf32> to vector<1024x128xf32>
    %transpose3A_322 = tpu.transpose %get3A_321, [1, 0] : vector<1024x128xf32> -> vector<128x1024xf32>
    %get3A_323 = arith.constant 1152 : index
    %get3A_324 = arith.constant 0 : index
    %get3A_325 = vector.load %arg2[%get3A_323, %get3A_324] : memref<1280x1xf32, #tpu.memory_space<vmem>>, vector<128x1xf32>
    %add3A_326 = vector.broadcast %get3A_325 : vector<128x1xf32> to vector<128x1024xf32>
    %add3A_327 = arith.addf %transpose3A_322, %add3A_326 : vector<128x1024xf32>
    %swap3A_328 = arith.constant 1152 : index
    %swap3A_329 = arith.constant 0 : index
    %swap3A_330 = vector.load %arg5[%swap3A_328, %swap3A_329] : memref<1280x1024xf32, #tpu.memory_space<vmem>>, vector<128x1024xf32>
    tpu.vector_store %arg5[%swap3A_328, %swap3A_329], %add3A_327 {strides = array<i32>} : memref<1280x1024xf32, #tpu.memory_space<vmem>>, vector<128x1024xf32>,
    %get3A_331 = arith.constant 0 : index
    %get3A_332 = arith.constant 0 : index
    %get3A_333 = vector.load %arg3[%get3A_331, %get3A_332] : memref<128x128xf32, #tpu.memory_space<vmem>>, vector<128x128xf32>
    %dot_general3A_334 = arith.constant dense<0.000000e+00> : vector<128x1024xf32>
    %dot_general3A_335 = tpu.matmul %get3A_333, %add3A_327, %dot_general3A_334 {dimension_numbers = #tpu.dot_dimension_numbers<[1], [0], [0], [1], [0, 0, 1, 1], [], []>, transpose_lhs_hint = false} : vector<128x128xf32>, vector<128x1024xf32>, vector<128x1024xf32> -> vector<128x1024xf32>
    %get3A_336 = arith.constant 0 : index
    %get3A_337 = arith.constant 0 : index
    %get3A_338 = vector.load %arg4[%get3A_336, %get3A_337] : memref<128x1xf32, #tpu.memory_space<vmem>>, vector<128x1xf32>
    %add3A_339 = vector.broadcast %get3A_338 : vector<128x1xf32> to vector<128x1024xf32>
    %add3A_340 = arith.addf %dot_general3A_335, %add3A_339 : vector<128x1024xf32>
    %logistic3A_341 = arith.negf %add3A_340 : vector<128x1024xf32>
    %logistic3A_342 = math.exp %logistic3A_341 : vector<128x1024xf32>
    %logistic3A_343 = arith.constant 1.000000e+00 : f32
    %logistic3A_344 = vector.broadcast %logistic3A_343 : f32 to vector<128x1024xf32>
    %logistic3A_345 = arith.addf %logistic3A_344, %logistic3A_342 : vector<128x1024xf32>
    %logistic3A_346 = arith.divf %logistic3A_344, %logistic3A_345 : vector<128x1024xf32>
    %reshape3A_347 = vector.shape_cast %logistic3A_346 : vector<128x1024xf32> to vector<32x4x8x128xf32>
    %transpose3A_348 = tpu.transpose %reshape3A_347, [0, 2, 1, 3] : vector<32x4x8x128xf32> -> vector<32x8x4x128xf32>
    %reshape3A_349 = vector.shape_cast %transpose3A_348 : vector<32x8x4x128xf32> to vector<1024x128xf32>
    %swap3A_350 = arith.constant 9216 : index
    %swap3A_351 = arith.constant 0 : index
    %swap3A_352 = vector.load %arg6[%swap3A_350, %swap3A_351] : memref<10240x128xf32, #tpu.memory_space<vmem>>, vector<1024x128xf32>
    tpu.vector_store %arg6[%swap3A_350, %swap3A_351], %reshape3A_349 {strides = array<i32>} : memref<10240x128xf32, #tpu.memory_space<vmem>>, vector<1024x128xf32>,
    return
  }
  func.func @transform_0(%arg0: i32) -> (i32, i32, i32) {
    %c0_i32 = arith.constant 0 : i32
    %c0_i32_0 = arith.constant 0 : i32
    %c0_i32_1 = arith.constant 0 : i32
    return %arg0, %c0_i32, %c0_i32_0 : i32, i32, i32
  }
  func.func @transform_1(%arg0: i32) -> (i32, i32) {
    %c0_i32 = arith.constant 0 : i32
    %c0_i32_0 = arith.constant 0 : i32
    return %arg0, %c0_i32 : i32, i32
  }
  func.func @transform_2(%arg0: i32) -> (i32, i32) {
    %c0_i32 = arith.constant 0 : i32
    %c0_i32_0 = arith.constant 0 : i32
    %c0_i32_1 = arith.constant 0 : i32
    return %c0_i32, %c0_i32_0 : i32, i32
  }
  func.func @transform_3(%arg0: i32) -> (i32, i32) {
    %c0_i32 = arith.constant 0 : i32
    %c0_i32_0 = arith.constant 0 : i32
    %c0_i32_1 = arith.constant 0 : i32
    return %c0_i32, %c0_i32_0 : i32, i32
  }
  func.func @transform_4(%arg0: i32) -> (i32, i32) {
    %c0_i32 = arith.constant 0 : i32
    %c0_i32_0 = arith.constant 0 : i32
    return %arg0, %c0_i32 : i32, i32
  }
  func.func @transform_5(%arg0: i32) -> (i32, i32) {
    %c0_i32 = arith.constant 0 : i32
    %c0_i32_0 = arith.constant 0 : i32
    return %arg0, %c0_i32 : i32, i32
  }
}

</mosaic_0001>

<sc_bundles>
// kernel: kernel.4.cloned.1.call-start
scs
__scs_entry_jumppad:
0x0: {  	(pc) =	sbr.rel $0x88, $3  }
0x1: {  	(tag) =	ssettag $0x0;
	lr =	simm.s32 $0x1  }
0x2: {  	[smem:$0x3F9C] =	sst lr;
	_ =	strace $0xD0000000  }
0x3: {  	_ = 	snop  }
0x4: {  	_ = 	snop  }
0x5: {  	_ = 	snop  }
0x6: {  	_ = 	snop  }
0x7: {  	_ = 	snop  }
__scs_overlays_trampoline_lowered:
0x8: {  	[smem:$0x3FAB] =	sst s0  }
0x9: {  	[smem:$0x3FAC] =	sst s1  }
0xa: {  	[smem:$0x3FAD] =	sst s2  }
0xb: {  	[smem:$0x3FAE] =	sst s3  }
0xc: {  	[smem:$0x3FAF] =	sst s4  }
0xd: {  	[smem:$0x3FB0] =	sst s5  }
0xe: {  	[smem:$0x3FB1] =	sst s6  }
0xf: {  	[smem:$0x3FB2] =	sst s7  }
0x10: {  	[smem:$0x3FB3] =	sst s8  }
0x11: {  	[smem:$0x3FB4] =	sst s9;
	s0 =	simm.s32 @!p0 $0x0  }
0x12: {  	s1 =	sld [smem:$0x3F9A];
	s0 =	simm.s32 @p0 $0x1  }
0x13: {  	[smem:$0x3FB5] =	sst s0;
	s0 =	simm.s32 @!p1 $0x0  }
0x14: {  	s2 =	sld [smem:$0x3F99];
	s0 =	simm.s32 @p1 $0x1  }
0x15: {  	[smem:$0x3FB6] =	sst s0;
	s0 =	simm.s32 @!p2 $0x0  }
0x16: {  	s3 =	sld [smem:$0x3FDB];
	s0 =	simm.s32 @p2 $0x1  }
0x17: {  	s4 =	simm.s32 $0x1BF5;
	[smem:$0x3FB8] =	sst s0  }
0x18: {  	s0 =	sld [smem:$0x3F9B];
	_ =	swait.ge [sflag:s4], $0x0  }
0x19: {  	s7 =	sld [smem:$0x3F9C]  }
0x1a: {  	s8 =	sadd.s32 $0xFFFFE003, lr  }
0x1b: {  	s9 =	sadd.s32 $0xFFFFFEF7, lr;
	s5 =	simm.s32 $0xFFFFFFFF;
	p2 =	slt.u32 s8, $0xFFFFF086  }
0x1c: {  	p1 =	slt.u32 s9, $0xF7A;
	s5 =	simm.s32 @!p2 $0x0  }
0x1d: {  	s5 =	simm.s32 @p1 $0x1;
	p0 =	seq.s32 s7, s2  }
0x1e: {  	s7 =	smul.u32 @!p0 $0xF7A, s2;
	p2 =	seq.s32 @!p0 s5, $0x0  }
0x1f: {  	s9 =	smul.u32 $0xF7A, s1;
	s8 =	simm.s32 @!p0 $0x1BF5;
	p2 =	por !p2, p0  }
0x20: {  	[sflag:s8] =	ssyncset.s32 @!p0 $0xFFFFF086;
	s6 =	sadd.s32 @!p0 s3, s7;
	s7 =	simm.s32 @!p0 $0x108  }
0x21: {  	s3 =	sadd.s32 s3, s9;
	s6 =	sadd.s32 @!p0 $0x88, s6;
	s7 =	simm.s32 @p2 $0x1082  }
0x22: {  	[simem:s7], [sflag:s8] =	dma.local @!p0 [hbm:s6], $0xF7A  }
0x23: {  	s9 =	sor.u32 $0xD0000000, s2;
	s6 =	simm.s32 $0x108;
	_ =	swait.ge @!p0 [sflag:s8], $0x0  }
0x24: {  	s3 =	sadd.s32 $0x88, s3;
	s6 =	simm.s32 @!p1 $0x1082;
	[sflag:s4] =	ssyncset.s32 $0xFFFFF086  }
0x25: {  	[simem:s6], [sflag:s4] =	dma.local [hbm:s3], $0xF7A  }
0x26: {  	[smem:$0x3F9C] =	sst s1;
	(tag) =	ssettag s2;
	_ =	strace s9  }
0x27: {  	s1 =	sld [smem:$0x3FAC]  }
0x28: {  	s2 =	sld [smem:$0x3FAD]  }
0x29: {  	s4 =	sld [smem:$0x3FAF]  }
0x2a: {  	p0 =	seq.s32 s5, $0x0;
	s5 =	sld [smem:$0x3FB0]  }
0x2b: {  	s6 =	sld [smem:$0x3FB1]  }
0x2c: {  	s7 =	sld [smem:$0x3FB2]  }
0x2d: {  	s3 =	simm.s32 $0x108;
	s8 =	sld [smem:$0x3FB3]  }
0x2e: {  	s3 =	simm.s32 @!p0 $0x1082;
	s9 =	sld [smem:$0x3FB4]  }
0x2f: {  	lr =	sadd.s32 s0, s3;
	s0 =	sld [smem:$0x3FAB]  }
0x30: {  	s3 =	sld [smem:$0x3FAE]  }
0x31: {  	[smem:$0x3FB7] =	sst s10  }
0x32: {  	s10 =	sld [smem:$0x3FB5];
	_ =	sdelay $0x3  }
0x33: {  	p0 =	seq.s32 s10, $0x1;
	s10 =	sld [smem:$0x3FB7];
	_ =	sdelay $0x3  }
0x34: {  	[smem:$0x3FB7] =	sst s10  }
0x35: {  	s10 =	sld [smem:$0x3FB6];
	_ =	sdelay $0x3  }
0x36: {  	p1 =	seq.s32 s10, $0x1;
	s10 =	sld [smem:$0x3FB7];
	_ =	sdelay $0x3  }
0x37: {  	[smem:$0x3FB7] =	sst s10  }
0x38: {  	s10 =	sld [smem:$0x3FB8]  }
0x39: {  	_ = 	snop;
	(pc) =	sbr.ind lr, $3  }
0x3a: {  	_ = 	snop  }
0x3b: {  	_ = 	snop  }
0x3c: {  	p2 =	seq.s32 s10, $0x1;
	s10 =	sld [smem:$0x3FB7]  }
0x3d: {  	_ =	shalt  }
0x3e: {  	_ =	shalt  }
0x3f: {  	_ =	shalt  }
0x40: {  	_ =	shalt  }
0x41: {  	_ =	shalt  }
0x42: {  	_ =	shalt  }
0x43: {  	_ =	shalt  }
0x44: {  	_ =	shalt  }
0x45: {  	_ =	shalt  }
0x46: {  	_ =	shalt  }
0x47: {  	_ =	shalt  }
0x48: {  	_ =	shalt  }
0x49: {  	_ =	shalt  }
0x4a: {  	_ =	shalt  }
0x4b: {  	_ =	shalt  }
0x4c: {  	_ =	shalt  }
0x4d: {  	_ =	shalt  }
0x4e: {  	_ =	shalt  }
0x4f: {  	_ =	shalt  }
0x50: {  	_ =	shalt  }
0x51: {  	_ =	shalt  }
0x52: {  	_ =	shalt  }
0x53: {  	_ =	shalt  }
0x54: {  	_ =	shalt  }
0x55: {  	_ =	shalt  }
0x56: {  	_ =	shalt  }
0x57: {  	_ =	shalt  }
0x58: {  	_ =	shalt  }
0x59: {  	_ =	shalt  }
0x5a: {  	_ =	shalt  }
0x5b: {  	_ =	shalt  }
0x5c: {  	_ =	shalt  }
0x5d: {  	_ =	shalt  }
0x5e: {  	_ =	shalt  }
0x5f: {  	_ =	shalt  }
0x60: {  	_ =	shalt  }
0x61: {  	_ =	shalt  }
0x62: {  	_ =	shalt  }
0x63: {  	_ =	shalt  }
0x64: {  	_ =	shalt  }
0x65: {  	_ =	shalt  }
0x66: {  	_ =	shalt  }
0x67: {  	_ =	shalt  }
0x68: {  	_ =	shalt  }
0x69: {  	_ =	shalt  }
0x6a: {  	_ =	shalt  }
0x6b: {  	_ =	shalt  }
0x6c: {  	_ =	shalt  }
0x6d: {  	_ =	shalt  }
0x6e: {  	_ =	shalt  }
0x6f: {  	_ =	shalt  }
0x70: {  	_ =	shalt  }
0x71: {  	_ =	shalt  }
0x72: {  	_ =	shalt  }
0x73: {  	_ =	shalt  }
0x74: {  	_ =	shalt  }
0x75: {  	_ =	shalt  }
0x76: {  	_ =	shalt  }
0x77: {  	_ =	shalt  }
0x78: {  	_ =	shalt  }
0x79: {  	_ =	shalt  }
0x7a: {  	_ =	shalt  }
0x7b: {  	_ =	shalt  }
0x7c: {  	_ =	shalt  }
0x7d: {  	_ =	shalt  }
0x7e: {  	_ =	shalt  }
0x7f: {  	_ =	shalt  }
0x80: {  	_ =	shalt  }
0x81: {  	_ =	shalt  }
0x82: {  	_ =	shalt  }
0x83: {  	_ =	shalt  }
0x84: {  	_ =	shalt  }
0x85: {  	_ =	shalt  }
0x86: {  	_ =	shalt  }
0x87: {  	_ =	shalt  }
.Lfunc_end0:
.L_simem_size_0:
called_computation_lowered:
.L_overlay_start_0:
0x88: {  	s2 =	sld [smem:$0x3FD9]  }
0x89: {  	s3 =	sld [smem:$0x3FFE];
	_ =	sdelay $0x1  }
0x8a: {  	s1 =	srdreg.scid  }
0x8b: {  	s0 =	sand.u32 $0x1, s1  }
0x8c: {  	s14 =	sshll.u32 s0, $0xA;
	s2 =	sadd.s32 s3, s2  }
0x8d: {  	s2 =	sadd.s32 s2, s14  }
0x8e: {  	[smem:$0x3FC3] =	sst s2  }
0x8f: {  	_ = 	snop  }
0x90: {  	s2 =	sld [smem:$0x3FD0];
	_ =	sdelay $0x2  }
0x91: {  	s15 =	simm.s32 $0xA;
	s4 =	simm.s32 $0x10  }
0x92: {  	[smem:s4], [sflag:s15] =	dma.local [hbm:s2], $0x1  }
0x93: {  	_ =	swait.eq [sflag:s15], $0x1  }
0x94: {  	[sflag:s15] =	ssyncset.done $0x0  }
0x95: {  	s16 =	sld [smem:$0x10];
	[sflag:s15] =	ssyncadd.s32 $0xFFFFFFFF  }
0x96: {  	s17 =	sld [smem:$0x12];
	(tm) =	ssettm $0x1  }
0x97: {  	s18 =	sld [smem:$0x3FFB];
	_ =	sdelay $0x3  }
0x98: {  	_ =	strace s18  }
0x99: {  	s4 =	sld [smem:$0x3FFC];
	_ =	sdelay $0x3  }
0x9a: {  	_ =	strace s4  }
0x9b: {  	s4 =	sld [smem:$0x3FFD];
	_ =	sdelay $0x3  }
0x9c: {  	_ =	strace s4  }
0x9d: {  	_ =	strace $0x8FFFFFFF  }
0x9e: {  	s19 =	sld [smem:$0x3FDB];
	_ =	sdelay $0x1  }
0x9f: {  	s5 =	simm.s32 $_scs_section_size  }
0xa0: {  	s6 =	simm.s32 $_size__tile_overlayer_lowered;
	s7 =	simm.s32 $_tile_overlayer_lowered  }
0xa1: {  	s22 =	simm.s32 $0x1BFF;
	s21 =	sshll.u32 s7, $0x1;
	s4 =	sadd.s32 s5, s19  }
0xa2: {  	s8 =	simm.s32 $0x0;
	s20 =	sshll.u32 s6, $0x1;
	s6 =	sadd.s32 s21, s4  }
0xa3: {  	[timem:s8], [sflag:s22] =	dma.local [hbm:s6], s20  }
0xa4: {  	_ =	swait.ge [sflag:s22], s20  }
0xa5: {  	s5 =	ssub.s32 $0x0, s20;
	[sflag:s22] =	ssyncset.done $0x0  }
0xa6: {  	[sflag:s22] =	ssyncadd.s32 s5;
	_ =	sdelay $0x1  }
0xa7: {  	s23 =	simm.s32 $0x1B8B  }
0xa8: {  	_ =	swait.ge [sflag:s23], $0x1  }
0xa9: {  	[sflag:s23] =	ssyncset.done $0x0  }
0xaa: {  	s25 =	simm.s32 $0x1B8E;
	s24 =	sld [smem:$0x3FFE];
	[sflag:s23] =	ssyncadd.s32 $0xFFFFFFFF  }
0xab: {  	s26 =	simm.s32 $execute0_lowered;
	[smem:$0x3FD2] =	sst s25  }
0xac: {  	s6 =	sshll.u32 s26, $0x1;
	_ =	strace $0x80000046;
	[dreg:$0x1] =	wrdreg $0xFFFFFFFF  }
0xad: {  	s28 =	simm.s32 $_size_execute0_lowered;
	s4 =	sadd.s32 s4, s6;
	[dreg:$0x0] =	wrdreg $0x0  }
0xae: {  	s6 =	sshll.u32 s28, $0x1;
	[dreg:$0x2] =	wrdreg s4  }
0xaf: {  	[dreg:$0x3] =	wrdreg s6  }
0xb0: {  	[dreg:$0x4] =	wrdreg $0xC0  }
0xb1: {  	_ =	task [dreg:s8], $0x5FFFF  }
0xb2: {  	[dreg:$0x1] =	wrdreg $0xFFFFFFFF  }
0xb3: {  	[dreg:$0x0] =	wrdreg $0x60  }
0xb4: {  	[dreg:$0x2] =	wrdreg s24  }
0xb5: {  	[dreg:$0x3] =	wrdreg s16  }
0xb6: {  	[dreg:$0x4] =	wrdreg s17  }
0xb7: {  	[dreg:$0x5] =	wrdreg $0x9  }
0xb8: {  	_ =	task.clear_ibuf [dreg:s8], $0x6FFFF;
	_ =	strace $0x90000046  }
0xb9: {  	s29 =	simm.s32 $0x9;
	_ =	strace $0x80000048  }
0xba: {  	_ =	swait.ge [sflag:s29], $0x1  }
0xbb: {  	[sflag:s29] =	ssyncadd.s32 $0xFFFFFFFF  }
0xbc: {  	_ =	strace $0x90000048  }
0xbd: {  	_ =	sfence  }
0xbe: {  	s30 =	sld [smem:$0x0];
	_ =	sdelay $0x2  }
0xbf: {  	s31 =	sshll.u32 s1, $0xD;
	s1 =	sshrl.u32 s1, $0x2  }
0xc0: {  	s3 =	sand.u32 $0x4000, s31;
	s1 =	sadd.s32 s1, s30  }
0xc1: {  	s0 =	sor.u32 s3, s0;
	s1 =	sshll.u32 s1, $0x11  }
0xc2: {  	s0 =	sor.u32 s1, s0  }
0xc3: {  	s0 =	sadd.s32 $0x8F2B, s0  }
0xc4: {  	[sflag:s0] =	ssyncadd.remote.s32 $0x1  }
0xc5: {  	_ =	sfence.sel $0xFFFF  }
0xc6: {  	[dreg:$0x0] =	wrdreg $0xFFFFFFFF;
	(pc) =	sbr.abs _section_cstart, $3  }
0xc7: {  	[dreg:$0x1] =	wrdreg $0xFFFFFFFF  }
0xc8: {  	_ =	task.clear_ibuf [dreg:s8], $0x2FFFF;
	_ =	strace $0x9FFFFFFF  }
0xc9: {  	(tm) =	ssettm $0x7FFFFFFF  }
tec
execute0_lowered:
.L_overlay_start_1:
0x0: {  	(tag) =	ssettag $0x1  }
0x1: {  	s4 =	rddreg [dreg:$0x0];
	s1 =	srdreg.scid  }
0x2: {  	s0 =	stileid.u32;
	s2 =	rddreg [dreg:$0x1]  }
0x3: {  	s9 =	rddreg [dreg:$0x2];
	s3 =	simm.s32 $0x0;
	s11 =	smul.u32 $0xC8000, s0  }
0x4: {  	s14 =	simm.s32 $0x1;
	s5 =	sand.u32 $0x1, s1;
	s26 =	smul.u32 $0x3200, s0  }
0x5: {  	s15 =	simm.s32 $0x2;
	s24 =	sshll.u32 s0, $0x1;
	s13 =	smul.u32 $0x64000, s5  }
0x6: {  	s16 =	simm.s32 $0x1880;
	s6 =	sor.u32 s5, s24;
	s28 =	smul.u32 $0x1900, s5  }
0x7: {  	s17 =	simm.s32 $0x0;
	s1 =	rddreg [dreg:$0x3];
	s7 =	smul.u32 $0x1900, s6  }
0x8: {  	[smem:$0x7FF] =	sst s3;
	s10 =	ssub.s32 $0x2, s5;
	s8 =	smul.u32 $0x64000, s6  }
0x9: {  	_ =	strace $0x80000047;
	s12 =	sshrl.u32 s10, $0x1;
	s30 =	smul.u32 $0xC800, s6  }
0xa: {  	s25 =	ssub.s32 s10, s12;
	s31 =	sadd.s32 s13, s11;
	s10 =	sadd.s32 s28, s26  }
0xb: {  	s12 =	simm.s32 $0x80;
	s13 =	simm.s32 $0x3900;
	s7 =	sshrl.u32 s7, $0x3  }
0xc: {  	s8 =	sshrl.u32 s8, $0x3;
	s5 =	smax.u32 s25, $0x1;
	s11 =	sshrl.u32 s31, $0x3  }
0xd: {  	s10 =	sshll.u32 s10, $0x3;
	s4 =	sadd.s32 s7, s4;
	s29 =	sadd.s32 s9, s8  }
0xe: {  	s8 =	sadd.s32 s9, s30;
	s4 =	sadd.s32 $0xE00, s4;
	s6 =	sadd.s32 $0xC000, s29  }
0xf: {  	s7 =	sadd.s32 $0xC400, s8;
	s8 =	sadd.s32 s11, s9;
	s9 =	sadd.s32 s10, s9  }
0x10: {  	s10 =	simm.s32 $0x3;
	s11 =	simm.s32 $0x1900;
	s9 =	sadd.s32 $0x400, s9  }
.LBB2_1:
0x11: {  	[tilespmem:s3], [sflag:$0x3] =	stream.linear.gather [hbm4b:s4+s3], $0x1900, $0x38;
	[tilespmem:$0x5900] =	vst v63  }
0x12: {  	_ =	swait.ge [sflag:s10], $0x1900  }
0x13: {  	[sflag:s10] =	ssyncset.done $0x0  }
0x14: {  	[sflag:s10] =	ssyncadd.s32 $0xFFFFE700  }
0x15: {  	[tilespmem:s11], [sflag:$0x1] =	stream.indirect.gather [hbm4b:s2+s12], $0x40, s3, s12, $0xb8;
	[tilespmem:$0x5900] =	vst v63  }
0x16: {  	_ = 	snop  }
0x17: {  	[tilespmem:s13], [sflag:$0x2] =	stream.indirect.gather [hbm4b:s2+s12], $0x40, s12, s12, $0xb8;
	[tilespmem:$0x5900] =	vst v63  }
0x18: {  	_ =	swait.ge [sflag:s14], $0x2000  }
0x19: {  	[sflag:s14] =	ssyncset.done $0x0  }
0x1a: {  	s18 =	sadd.s32 $0x0, s8;
	[sflag:s14] =	ssyncadd.s32 $0xFFFFE000  }
0x1b: {  	[hbm4b:s18+s3] =	stream.linear.scatter [tilespmem:s11], [sflag:$0x3], $0x2000, $0x38;
	[tilespmem:$0x5900] =	vst v63  }
0x1c: {  	_ =	swait.ge [sflag:s10], $0x2000  }
0x1d: {  	[sflag:s10] =	ssyncset.done $0x0  }
0x1e: {  	s30 =	simm.s32 $0x100;
	[sflag:s10] =	ssyncadd.s32 $0xFFFFE000  }
0x1f: {  	[tilespmem:s11], [sflag:$0x1] =	stream.indirect.gather [hbm4b:s2+s12], $0x40, s30, s12, $0xb8;
	[tilespmem:$0x5900] =	vst v63  }
0x20: {  	_ =	swait.ge [sflag:s15], $0x2000  }
0x21: {  	[sflag:s15] =	ssyncset.done $0x0  }
0x22: {  	s31 =	sadd.s32 $0x0, s9;
	[sflag:s15] =	ssyncadd.s32 $0xFFFFE000  }
0x23: {  	[hbm4b:s31+s3] =	stream.linear.scatter [tilespmem:s13], [sflag:$0x3], $0x2000, $0x38;
	[tilespmem:$0x5900] =	vst v63  }
0x24: {  	_ =	swait.ge [sflag:s10], $0x2000  }
0x25: {  	s19 =	simm.s32 $0x80;
	s18 =	simm.s32 $0x800;
	[sflag:s10] =	ssyncset.done $0x0  }
.LBB2_2:
0x26: {  	p0 =	sne.s32 s18, $0xB800;
	[sflag:s10] =	ssyncadd.s32 $0xFFFFE000;
	s19 =	sadd.s32 $0x100, s19  }
0x27: {  	[tilespmem:s13], [sflag:$0x2] =	stream.indirect.gather [hbm4b:s2+s12], $0x40, s19, s12, $0xb8;
	[tilespmem:$0x5900] =	vst v63  }
0x28: {  	s20 =	smov.u32 s18;
	s18 =	sadd.s32 $0x800, s18;
	_ =	swait.ge [sflag:s14], $0x2000  }
0x29: {  	[sflag:s14] =	ssyncset.done $0x0  }
0x2a: {  	s21 =	sadd.s32 s20, s8;
	[sflag:s14] =	ssyncadd.s32 $0xFFFFE000  }
0x2b: {  	[hbm4b:s21+s3] =	stream.linear.scatter [tilespmem:s11], [sflag:$0x3], $0x2000, $0x38;
	[tilespmem:$0x5900] =	vst v63  }
0x2c: {  	_ =	swait.ge [sflag:s10], $0x2000  }
0x2d: {  	[sflag:s10] =	ssyncset.done $0x0  }
0x2e: {  	s21 =	sadd.s32 $0x80, s19;
	[sflag:s10] =	ssyncadd.s32 $0xFFFFE000  }
0x2f: {  	[tilespmem:s11], [sflag:$0x1] =	stream.indirect.gather [hbm4b:s2+s12], $0x40, s21, s12, $0xb8;
	[tilespmem:$0x5900] =	vst v63  }
0x30: {  	_ =	swait.ge [sflag:s15], $0x2000  }
.Ltmp0:
0x31: {  	[sflag:s15] =	ssyncset.done $0x0;
	(pc) =	sbr.rel @p0 .LBB2_2-.Ltmp0, $4  }
0x32: {  	s20 =	sadd.s32 s20, s9;
	[sflag:s15] =	ssyncadd.s32 $0xFFFFE000  }
0x33: {  	[hbm4b:s20+s3] =	stream.linear.scatter [tilespmem:s13], [sflag:$0x3], $0x2000, $0x38;
	[tilespmem:$0x5900] =	vst v63  }
0x34: {  	_ =	swait.ge [sflag:s10], $0x2000  }
0x35: {  	[sflag:s10] =	ssyncset.done $0x0  }
0x36: {  	[sflag:s10] =	ssyncadd.s32 $0xFFFFE000  }
0x37: {  	[tilespmem:s13], [sflag:$0x2] =	stream.indirect.gather [hbm4b:s2+s12], $0x40, s16, s12, $0xb8;
	[tilespmem:$0x5900] =	vst v63  }
0x38: {  	_ =	swait.ge [sflag:s14], $0x2000  }
0x39: {  	[sflag:s14] =	ssyncset.done $0x0  }
0x3a: {  	[sflag:s14] =	ssyncadd.s32 $0xFFFFE000  }
0x3b: {  	[hbm4b:s6+s3] =	stream.linear.scatter [tilespmem:s11], [sflag:$0x3], $0x2000, $0x38;
	[tilespmem:$0x5900] =	vst v63  }
0x3c: {  	_ =	swait.ge [sflag:s10], $0x2000  }
0x3d: {  	[sflag:s10] =	ssyncset.done $0x0  }
0x3e: {  	[sflag:s10] =	ssyncadd.s32 $0xFFFFE000  }
0x3f: {  	s17 =	sadd.s32 $0x1, s17;
	_ =	swait.ge [sflag:s15], $0x2000  }
0x40: {  	p0 =	sne.s32 s17, s5;
	[sflag:s15] =	ssyncset.done $0x0  }
.Ltmp1:
0x41: {  	[sflag:s15] =	ssyncadd.s32 $0xFFFFE000;
	(pc) =	sbr.rel @p0 .LBB2_1-.Ltmp1, $4  }
0x42: {  	[hbm4b:s7+s3] =	stream.linear.scatter [tilespmem:s13], [sflag:$0x3], $0x2000, $0x38;
	[tilespmem:$0x5900] =	vst v63  }
0x43: {  	_ =	swait.ge [sflag:s10], $0x2000  }
0x44: {  	[sflag:s10] =	ssyncset.done $0x0  }
0x45: {  	[sflag:s10] =	ssyncadd.s32 $0xFFFFE000  }
0x46: {  	_ =	sfence.sel $0x180000  }
0x47: {  	[bflag:$0x0] =	sbarrier.arrive $0xFFFF  }
0x48: {  	p0 =	sne.s32 s0, $0x0;
	_ =	strace $0x90000047  }
0x49: {  	s0 =	sadd.s32 @!p0 $0x100000, s1;
	[bflag:$0x2] =	sbarrier.arrive $0xFFFF  }
0x4a: {  	[sflag:s0] =	ssyncadd.tile.s32 @!p0 $0x1;
	_ =	shalt  }
.Lfunc_end2:
_tile_overlayer_lowered:
.L_overlay_start_2:
0x4b: {  	(tag) =	ssettag $0x2  }
0x4c: {  	s0 =	rddreg [dreg:$0x0];
	s2 =	stileid.u32  }
0x4d: {  	s1 =	rddreg [dreg:$0x1];
	p0 =	sne.s32 s2, $0x0  }
0x4e: {  	s3 =	rddreg [dreg:$0x2];
	[bflag:$0x3] =	sbarrier.arrive $0xFFFF;
	s2 =	simm.s32 @!p0 $0x1C03  }
0x4f: {  	[timem:s3], [sflag:s2] =	dma.local @!p0 [hbm:s0], s1  }
0x50: {  	s0 =	simm.s32 @!p0 $0x3  }
0x51: {  	_ =	swait.ge @!p0 [sflag:s0], s1  }
0x52: {  	s1 =	ssub.s32 @!p0 $0x0, s1;
	[sflag:s0] =	ssyncset.done @!p0 $0x0  }
0x53: {  	[sflag:s0] =	ssyncadd.s32 @!p0 s1  }
0x54: {  	[bflag:$0x3] =	sbarrier.arrive $0xFFFF  }
0x55: {  	_ =	shalt  }

</sc_bundles>
